<compile_context>
chip_gen: v7x
topology: tpu7x:2x2x1
jax: 0.10.2.dev20260603
libtpu: 0.0.44.dev20260713+nightly
codegen_flags: <defaults>
</compile_context>

<pallas_src>
import functools

import jax
import jax.numpy as jnp
from jax import lax
from jax.experimental import pallas as pl
from jax.experimental.pallas import tpu as pltpu
from jax.experimental.pallas import tpu_sc as plsc

B = 16384
F = 26
V = 100000
D = 32
NE = F * D

NC = 2
NS = 16
NW = NC * NS
CHUNK = 128
RPW = (B * F) // NW
CPW = RPW // CHUNK


def _sc_gather(idx2d, tab_flat):
    mesh = plsc.VectorSubcoreMesh(core_axis_name="c", subcore_axis_name="s")

    @functools.partial(
        pl.kernel,
        mesh=mesh,
        compiler_params=pltpu.CompilerParams(use_tc_tiling_on_sc=False),
        out_type=jax.ShapeDtypeStruct((B * F, D), jnp.float32),
        scratch_types=[
            pltpu.VMEM((CPW, CHUNK), jnp.int32),
            pltpu.VMEM((2, CHUNK, D), jnp.float32),
            pltpu.SemaphoreType.DMA,
            pltpu.SemaphoreType.DMA,
            pltpu.SemaphoreType.DMA,
            pltpu.SemaphoreType.DMA,
        ],
    )
    def gather_kernel(idx_hbm, tab_hbm, out_hbm, idx_v, rows_v, g0, g1, s0, s1):
        wid = lax.axis_index("s") * NC + lax.axis_index("c")
        pltpu.sync_copy(idx_hbm.at[pl.ds(wid * CPW, CPW)], idx_v)
        base = wid * RPW
        npair = CPW // 2

        def gather(c, b, sem):
            pltpu.async_copy(tab_hbm.at[idx_v.at[c]], rows_v.at[b], sem)

        def wait_gather(c, b, sem):
            pltpu.make_async_copy(
                tab_hbm.at[idx_v.at[c]], rows_v.at[b], sem
            ).wait()

        def write(c, b, sem):
            pltpu.async_copy(
                rows_v.at[b], out_hbm.at[pl.ds(base + c * CHUNK, CHUNK)], sem
            )

        def wait_write(c, b, sem):
            pltpu.make_async_copy(
                rows_v.at[b], out_hbm.at[pl.ds(base + c * CHUNK, CHUNK)], sem
            ).wait()

        gather(0, 0, g0)
        gather(1, 1, g1)

        def body(j, carry):
            c0 = 2 * j
            c1 = c0 + 1
            wait_gather(c0, 0, g0)
            write(c0, 0, s0)
            wait_gather(c1, 1, g1)
            write(c1, 1, s1)
            wait_write(c0, 0, s0)

            @pl.when(j < npair - 1)
            def _():
                gather(c0 + 2, 0, g0)

            wait_write(c1, 1, s1)

            @pl.when(j < npair - 1)
            def _():
                gather(c1 + 2, 1, g1)

            return carry

        lax.fori_loop(0, npair, body, 0)

    return gather_kernel(idx2d, tab_flat)


NBLK = 16
BLK = B // NBLK


def _stage1_body(emb_ref, w1_ref, b1_ref, g_ref, bt_ref, h1_ref, st_ref,
                 s_ref, q_ref):
    i = pl.program_id(0)
    h = jnp.dot(emb_ref[...], w1_ref[...], preferred_element_type=jnp.float32)
    h = jnp.maximum(h + b1_ref[...], 0.0)
    h1_ref[...] = h
    ps = jnp.sum(h, axis=0, keepdims=True)
    pq = jnp.sum(h * h, axis=0, keepdims=True)

    @pl.when(i == 0)
    def _():
        s_ref[...] = ps
        q_ref[...] = pq

    @pl.when(i > 0)
    def _():
        s_ref[...] += ps
        q_ref[...] += pq

    @pl.when(i == NBLK - 1)
    def _():
        mu = s_ref[...] * (1.0 / B)
        var = q_ref[...] * (1.0 / B) - mu * mu
        scale = g_ref[...] * lax.rsqrt(jnp.maximum(var, 0.0) + 1e-5)
        st_ref[0:1, :] = scale
        st_ref[1:2, :] = bt_ref[...] - mu * scale


def _stage2_body(h1_ref, st_ref, w2_ref, b2_ref, w3_ref, b3_ref, out_ref):
    h = h1_ref[...] * st_ref[0:1, :] + st_ref[1:2, :]
    h = jnp.dot(h, w2_ref[...], preferred_element_type=jnp.float32)
    h = jnp.maximum(h + b2_ref[...], 0.0)
    out_ref[...] = (
        jnp.dot(h, w3_ref[...], preferred_element_type=jnp.float32)
        + b3_ref[...]
    )


def _mlp(emb, W1, b1, gamma, beta, W2, b2, W3, b3):
    h1, stats = pl.pallas_call(
        _stage1_body,
        grid=(NBLK,),
        in_specs=[
            pl.BlockSpec((BLK, NE), lambda i: (i, 0)),
            pl.BlockSpec((NE, 128), lambda i: (0, 0)),
            pl.BlockSpec((1, 128), lambda i: (0, 0)),
            pl.BlockSpec((1, 128), lambda i: (0, 0)),
            pl.BlockSpec((1, 128), lambda i: (0, 0)),
        ],
        out_specs=[
            pl.BlockSpec((BLK, 128), lambda i: (i, 0)),
            pl.BlockSpec((2, 128), lambda i: (0, 0)),
        ],
        out_shape=[
            jax.ShapeDtypeStruct((B, 128), jnp.float32),
            jax.ShapeDtypeStruct((2, 128), jnp.float32),
        ],
        scratch_shapes=[
            pltpu.VMEM((1, 128), jnp.float32),
            pltpu.VMEM((1, 128), jnp.float32),
        ],
    )(emb, W1, b1.reshape(1, 128), gamma.reshape(1, 128), beta.reshape(1, 128))

    out = pl.pallas_call(
        _stage2_body,
        grid=(NBLK,),
        in_specs=[
            pl.BlockSpec((BLK, 128), lambda i: (i, 0)),
            pl.BlockSpec((2, 128), lambda i: (0, 0)),
            pl.BlockSpec((128, 64), lambda i: (0, 0)),
            pl.BlockSpec((1, 64), lambda i: (0, 0)),
            pl.BlockSpec((64, 1), lambda i: (0, 0)),
            pl.BlockSpec((1, 1), lambda i: (0, 0)),
        ],
        out_specs=pl.BlockSpec((BLK, 1), lambda i: (i, 0)),
        out_shape=jax.ShapeDtypeStruct((B, 1), jnp.float32),
    )(h1, stats, W2, b2.reshape(1, 64), W3, b3.reshape(1, 1))
    return out


def kernel(x, tables, W1, b1, gamma, beta, W2, b2, W3, b3):
    offs = (jnp.arange(F, dtype=jnp.int32) * V)[None, :]
    idx2d = (x + offs).reshape((B * F) // CHUNK, CHUNK)
    tab_flat = tables.reshape(F * V, D)
    emb = _sc_gather(idx2d, tab_flat).reshape(B, NE)
    return _mlp(emb, W1, b1, gamma, beta, W2, b2, W3, b3)

# --- scband reference (transcript-rebuilt; emitter-appended) ---
"""Pipeline reference for scband-car-price-net-73950746902531 (READ-ONLY COPY).

The authoritative reference and input builder live on the scoring server;
editing this copy changes nothing except your own understanding.
"""

import jax, jax.numpy as jnp
import numpy as np

B = 16384
F = 26
V = 100000
D = 32
NE = F * D


def setup_inputs(seed: int = 0) -> dict:
    key = jax.random.key(seed)
    ks = jax.random.split(key, 10)
    x = jax.random.randint(ks[0], (B, F), 0, V, dtype=jnp.int32)
    tables = jax.random.normal(ks[1], (F, V, D), dtype=jnp.float32)
    W1 = jax.random.normal(ks[2], (NE, 128), dtype=jnp.float32) * (1.0 / np.sqrt(NE))
    b1 = jax.random.normal(ks[3], (128,), dtype=jnp.float32) * 0.01
    gamma = jnp.ones((128,), dtype=jnp.float32)
    beta = jnp.zeros((128,), dtype=jnp.float32)
    W2 = jax.random.normal(ks[4], (128, 64), dtype=jnp.float32) * (1.0 / np.sqrt(128))
    b2 = jax.random.normal(ks[5], (64,), dtype=jnp.float32) * 0.01
    W3 = jax.random.normal(ks[6], (64, 1), dtype=jnp.float32) * (1.0 / np.sqrt(64))
    b3 = jax.random.normal(ks[7], (1,), dtype=jnp.float32) * 0.01
    return {"x": x, "tables": tables, "W1": W1, "b1": b1, "gamma": gamma, "beta": beta, "W2": W2, "b2": b2, "W3": W3, "b3": b3}


def reference(x, tables, W1, b1, gamma, beta, W2, b2, W3, b3):
    # per-field embedding gather: tables[i][x[:, i]] -> [B, F, D]
    emb = jax.vmap(lambda t, idx: jnp.take(t, idx, axis=0), in_axes=(0, 1), out_axes=1)(tables, x)
    h = emb.reshape(x.shape[0], -1)  # concat along feature dim -> [B, F*D]
    # Linear(NE, 128) + ReLU
    h = h @ W1 + b1
    h = jax.nn.relu(h)
    # BatchNorm1d(128), training-mode batch statistics (biased var), eps=1e-5
    mu = jnp.mean(h, axis=0)
    var = jnp.var(h, axis=0)
    h = (h - mu) / jnp.sqrt(var + 1e-5) * gamma + beta
    # Dropout(0.2) treated as identity (eval/deterministic)
    # Linear(128, 64) + ReLU
    h = jax.nn.relu(h @ W2 + b2)
    # Linear(64, 1)
    return h @ W3 + b3

if __name__ == "__main__":
    import jax
    _d = setup_inputs()
    print(jax.jit(kernel)(*tuple(_d.values())))

</pallas_src>

<mosaic_0001>
#map = affine_map<(d0, d1) -> (0, 0)>
module attributes {stable_mosaic.version = 14 : i64} {
  func.func @gather_kernel(%arg0: i32, %arg1: i32, %arg2: memref<3328x128xi32, #tpu.memory_space<hbm>>, %arg3: memref<2600000x32xf32, #tpu.memory_space<hbm>>, %arg4: memref<425984x32xf32, #tpu.memory_space<hbm>>, %arg5: memref<104x128xi32, #tpu.memory_space<vmem>>, %arg6: memref<2x128x32xf32, #tpu.memory_space<vmem>>, %arg7: memref<!tpu.dma_semaphore, #tpu.memory_space<semaphore_mem>>, %arg8: memref<!tpu.dma_semaphore, #tpu.memory_space<semaphore_mem>>, %arg9: memref<!tpu.dma_semaphore, #tpu.memory_space<semaphore_mem>>, %arg10: memref<!tpu.dma_semaphore, #tpu.memory_space<semaphore_mem>>) attributes {dimension_semantics = [#tpu.dimension_semantics<core_parallel>, #tpu.dimension_semantics<subcore_parallel>], iteration_bounds = array<i64: 2, 16>, scalar_prefetch = 0 : i64, scratch_operands = 6 : i64, tpu.core_type = #tpu.core_type<sc_vector_subcore>, window_params = [{transform_indices = #map}, {transform_indices = #map}, {transform_indices = #map}]} {
    %mul3A = arith.constant 2 : i32
    %mul3A_0 = arith.muli %arg1, %mul3A : i32
    %add3A = arith.addi %mul3A_0, %arg0 : i32
    %mul3A_1 = arith.constant 104 : i32
    %mul3A_2 = arith.muli %add3A, %mul3A_1 : i32
    "tpu.region"() ({
      %run_scoped3A = tpu.sem_alloc : memref<!tpu.dma_semaphore, #tpu.memory_space<semaphore_mem>>
      %dma_start3A_33 = arith.constant 0 : i32
      %dma_start3A_34 = tpu.memref_slice %arg2[%mul3A_2, %dma_start3A_33] : memref<3328x128xi32, #tpu.memory_space<hbm>> -> memref<104x128xi32, #tpu.memory_space<hbm>>
      %dma_start3A_35 = arith.constant 0 : i32
      %dma_start3A_36 = tpu.memref_slice %arg2[%mul3A_2, %dma_start3A_35] : memref<3328x128xi32, #tpu.memory_space<hbm>> -> memref<104x128xi32, #tpu.memory_space<hbm>>
      tpu.enqueue_dma source(%dma_start3A_36 : memref<104x128xi32, #tpu.memory_space<hbm>>) target(%arg5 : memref<104x128xi32, #tpu.memory_space<vmem>>) target_semaphore(%run_scoped3A : memref<!tpu.dma_semaphore, #tpu.memory_space<semaphore_mem>>)
      %dma_wait3A = arith.constant 0 : i32
      %dma_wait3A_37 = tpu.memref_slice %arg2[%mul3A_2, %dma_wait3A] : memref<3328x128xi32, #tpu.memory_space<hbm>> -> memref<104x128xi32, #tpu.memory_space<hbm>>
      %dma_wait3A_38 = arith.constant 0 : i32
      %dma_wait3A_39 = tpu.memref_slice %arg2[%mul3A_2, %dma_wait3A_38] : memref<3328x128xi32, #tpu.memory_space<hbm>> -> memref<104x128xi32, #tpu.memory_space<hbm>>
      tpu.wait_dma2 semaphore(%run_scoped3A : memref<!tpu.dma_semaphore, #tpu.memory_space<semaphore_mem>>) src(%dma_wait3A_39 : memref<104x128xi32, #tpu.memory_space<hbm>>) dst(%arg5 : memref<104x128xi32, #tpu.memory_space<vmem>>)
      tpu.yield
    }) : () -> ()
    %mul3A_3 = arith.constant 13312 : i32
    %mul3A_4 = arith.muli %add3A, %mul3A_3 : i32
    %dma_start3A = arith.constant 0 : i32
    %dma_start3A_5 = arith.constant 0 : i32
    %dma_start3A_6 = arith.constant 0 : i32
    %dma_start3A_7 = arith.constant 0 : i32
    %dma_start3A_8 = tpu.memref_slice %arg6[%dma_start3A_5, %dma_start3A_6, %dma_start3A_7] : memref<2x128x32xf32, #tpu.memory_space<vmem>> -> memref<1x128x32xf32, #tpu.memory_space<vmem>>
    %dma_start3A_9 = tpu.memref_squeeze %dma_start3A_8 : memref<1x128x32xf32, #tpu.memory_space<vmem>> -> memref<128x32xf32, #tpu.memory_space<vmem>>
    %dma_start3A_10 = arith.constant 0 : i32
    %dma_start3A_11 = tpu.memref_slice %arg5[%dma_start3A, %dma_start3A_10] : memref<104x128xi32, #tpu.memory_space<vmem>> -> memref<1x128xi32, #tpu.memory_space<vmem>>
    %dma_start3A_12 = tpu.memref_squeeze %dma_start3A_11 : memref<1x128xi32, #tpu.memory_space<vmem>> -> memref<128xi32, #tpu.memory_space<vmem>>
    %dma_start3A_13 = arith.constant 0 : i32
    %dma_start3A_14 = arith.constant 0 : i32
    %dma_start3A_15 = tpu.memref_slice %arg3[%dma_start3A_13, %dma_start3A_14] : memref<2600000x32xf32, #tpu.memory_space<hbm>> -> memref<2600000x32xf32, #tpu.memory_space<hbm>>
    tpu.enqueue_indirect_dma source(%dma_start3A_15 : memref<2600000x32xf32, #tpu.memory_space<hbm>>) target(%dma_start3A_9 : memref<128x32xf32, #tpu.memory_space<vmem>>) offsets(%dma_start3A_12 : memref<128xi32, #tpu.memory_space<vmem>>) semaphore(%arg7 : memref<!tpu.dma_semaphore, #tpu.memory_space<semaphore_mem>>)
    %dma_start3A_16 = arith.constant 1 : i32
    %dma_start3A_17 = arith.constant 1 : i32
    %dma_start3A_18 = arith.constant 0 : i32
    %dma_start3A_19 = arith.constant 0 : i32
    %dma_start3A_20 = tpu.memref_slice %arg6[%dma_start3A_17, %dma_start3A_18, %dma_start3A_19] : memref<2x128x32xf32, #tpu.memory_space<vmem>> -> memref<1x128x32xf32, #tpu.memory_space<vmem>>
    %dma_start3A_21 = tpu.memref_squeeze %dma_start3A_20 : memref<1x128x32xf32, #tpu.memory_space<vmem>> -> memref<128x32xf32, #tpu.memory_space<vmem>>
    %dma_start3A_22 = arith.constant 0 : i32
    %dma_start3A_23 = tpu.memref_slice %arg5[%dma_start3A_16, %dma_start3A_22] : memref<104x128xi32, #tpu.memory_space<vmem>> -> memref<1x128xi32, #tpu.memory_space<vmem>>
    %dma_start3A_24 = tpu.memref_squeeze %dma_start3A_23 : memref<1x128xi32, #tpu.memory_space<vmem>> -> memref<128xi32, #tpu.memory_space<vmem>>
    %dma_start3A_25 = arith.constant 0 : i32
    %dma_start3A_26 = arith.constant 0 : i32
    %dma_start3A_27 = tpu.memref_slice %arg3[%dma_start3A_25, %dma_start3A_26] : memref<2600000x32xf32, #tpu.memory_space<hbm>> -> memref<2600000x32xf32, #tpu.memory_space<hbm>>
    tpu.enqueue_indirect_dma source(%dma_start3A_27 : memref<2600000x32xf32, #tpu.memory_space<hbm>>) target(%dma_start3A_21 : memref<128x32xf32, #tpu.memory_space<vmem>>) offsets(%dma_start3A_24 : memref<128xi32, #tpu.memory_space<vmem>>) semaphore(%arg8 : memref<!tpu.dma_semaphore, #tpu.memory_space<semaphore_mem>>)
    %scan3A = arith.constant 0 : i32
    %scan3A_28 = arith.constant 0 : i32
    %scan3A_29 = arith.constant 52 : i32
    %scan3A_30 = arith.addi %scan3A_28, %scan3A_29 : i32
    %scan3A_31 = arith.constant 1 : i32
    scf.for %scan3A_33 = %scan3A_28 to %scan3A_30 step %scan3A_31  : i32 {
      %mul3A_34 = arith.constant 2 : i32
      %mul3A_35 = arith.muli %mul3A_34, %scan3A_33 : i32
      %add3A_36 = arith.constant 1 : i32
      %add3A_37 = arith.addi %mul3A_35, %add3A_36 : i32
      %dma_wait3A = arith.constant 0 : i32
      %dma_wait3A_38 = arith.constant 0 : i32
      %dma_wait3A_39 = arith.constant 0 : i32
      %dma_wait3A_40 = tpu.memref_slice %arg6[%dma_wait3A, %dma_wait3A_38, %dma_wait3A_39] : memref<2x128x32xf32, #tpu.memory_space<vmem>> -> memref<1x128x32xf32, #tpu.memory_space<vmem>>
      %dma_wait3A_41 = tpu.memref_squeeze %dma_wait3A_40 : memref<1x128x32xf32, #tpu.memory_space<vmem>> -> memref<128x32xf32, #tpu.memory_space<vmem>>
      %dma_wait3A_42 = arith.constant 0 : i32
      %dma_wait3A_43 = tpu.memref_slice %arg5[%mul3A_35, %dma_wait3A_42] : memref<104x128xi32, #tpu.memory_space<vmem>> -> memref<1x128xi32, #tpu.memory_space<vmem>>
      %dma_wait3A_44 = tpu.memref_squeeze %dma_wait3A_43 : memref<1x128xi32, #tpu.memory_space<vmem>> -> memref<128xi32, #tpu.memory_space<vmem>>
      %dma_wait3A_45 = arith.constant 0 : i32
      %dma_wait3A_46 = arith.constant 0 : i32
      %dma_wait3A_47 = tpu.memref_slice %arg3[%dma_wait3A_45, %dma_wait3A_46] : memref<2600000x32xf32, #tpu.memory_space<hbm>> -> memref<2600000x32xf32, #tpu.memory_space<hbm>>
      tpu.wait_indirect_dma semaphore(%arg7 : memref<!tpu.dma_semaphore, #tpu.memory_space<semaphore_mem>>) src(%dma_wait3A_47 : memref<2600000x32xf32, #tpu.memory_space<hbm>>) dst(%dma_wait3A_41 : memref<128x32xf32, #tpu.memory_space<vmem>>)
      %mul3A_48 = arith.constant 128 : i32
      %mul3A_49 = arith.muli %mul3A_35, %mul3A_48 : i32
      %add3A_50 = arith.addi %mul3A_4, %mul3A_49 : i32
      %dma_start3A_51 = arith.constant 0 : i32
      %dma_start3A_52 = arith.constant 0 : i32
      %dma_start3A_53 = arith.constant 0 : i32
      %dma_start3A_54 = tpu.memref_slice %arg6[%dma_start3A_51, %dma_start3A_52, %dma_start3A_53] : memref<2x128x32xf32, #tpu.memory_space<vmem>> -> memref<1x128x32xf32, #tpu.memory_space<vmem>>
      %dma_start3A_55 = tpu.memref_squeeze %dma_start3A_54 : memref<1x128x32xf32, #tpu.memory_space<vmem>> -> memref<128x32xf32, #tpu.memory_space<vmem>>
      %dma_start3A_56 = arith.constant 0 : i32
      %dma_start3A_57 = tpu.memref_slice %arg4[%add3A_50, %dma_start3A_56] : memref<425984x32xf32, #tpu.memory_space<hbm>> -> memref<128x32xf32, #tpu.memory_space<hbm>>
      %dma_start3A_58 = arith.constant 0 : i32
      %dma_start3A_59 = tpu.memref_slice %arg4[%add3A_50, %dma_start3A_58] : memref<425984x32xf32, #tpu.memory_space<hbm>> -> memref<128x32xf32, #tpu.memory_space<hbm>>
      %dma_start3A_60 = arith.constant 0 : i32
      %dma_start3A_61 = arith.constant 0 : i32
      %dma_start3A_62 = tpu.memref_slice %arg6[%dma_start3A_51, %dma_start3A_60, %dma_start3A_61] : memref<2x128x32xf32, #tpu.memory_space<vmem>> -> memref<1x128x32xf32, #tpu.memory_space<vmem>>
      %dma_start3A_63 = tpu.memref_squeeze %dma_start3A_62 : memref<1x128x32xf32, #tpu.memory_space<vmem>> -> memref<128x32xf32, #tpu.memory_space<vmem>>
      tpu.enqueue_dma source(%dma_start3A_63 : memref<128x32xf32, #tpu.memory_space<vmem>>) target(%dma_start3A_59 : memref<128x32xf32, #tpu.memory_space<hbm>>) target_semaphore(%arg9 : memref<!tpu.dma_semaphore, #tpu.memory_space<semaphore_mem>>)
      %dma_wait3A_64 = arith.constant 1 : i32
      %dma_wait3A_65 = arith.constant 0 : i32
      %dma_wait3A_66 = arith.constant 0 : i32
      %dma_wait3A_67 = tpu.memref_slice %arg6[%dma_wait3A_64, %dma_wait3A_65, %dma_wait3A_66] : memref<2x128x32xf32, #tpu.memory_space<vmem>> -> memref<1x128x32xf32, #tpu.memory_space<vmem>>
      %dma_wait3A_68 = tpu.memref_squeeze %dma_wait3A_67 : memref<1x128x32xf32, #tpu.memory_space<vmem>> -> memref<128x32xf32, #tpu.memory_space<vmem>>
      %dma_wait3A_69 = arith.constant 0 : i32
      %dma_wait3A_70 = tpu.memref_slice %arg5[%add3A_37, %dma_wait3A_69] : memref<104x128xi32, #tpu.memory_space<vmem>> -> memref<1x128xi32, #tpu.memory_space<vmem>>
      %dma_wait3A_71 = tpu.memref_squeeze %dma_wait3A_70 : memref<1x128xi32, #tpu.memory_space<vmem>> -> memref<128xi32, #tpu.memory_space<vmem>>
      %dma_wait3A_72 = arith.constant 0 : i32
      %dma_wait3A_73 = arith.constant 0 : i32
      %dma_wait3A_74 = tpu.memref_slice %arg3[%dma_wait3A_72, %dma_wait3A_73] : memref<2600000x32xf32, #tpu.memory_space<hbm>> -> memref<2600000x32xf32, #tpu.memory_space<hbm>>
      tpu.wait_indirect_dma semaphore(%arg8 : memref<!tpu.dma_semaphore, #tpu.memory_space<semaphore_mem>>) src(%dma_wait3A_74 : memref<2600000x32xf32, #tpu.memory_space<hbm>>) dst(%dma_wait3A_68 : memref<128x32xf32, #tpu.memory_space<vmem>>)
      %mul3A_75 = arith.constant 128 : i32
      %mul3A_76 = arith.muli %add3A_37, %mul3A_75 : i32
      %add3A_77 = arith.addi %mul3A_4, %mul3A_76 : i32
      %dma_start3A_78 = arith.constant 1 : i32
      %dma_start3A_79 = arith.constant 0 : i32
      %dma_start3A_80 = arith.constant 0 : i32
      %dma_start3A_81 = tpu.memref_slice %arg6[%dma_start3A_78, %dma_start3A_79, %dma_start3A_80] : memref<2x128x32xf32, #tpu.memory_space<vmem>> -> memref<1x128x32xf32, #tpu.memory_space<vmem>>
      %dma_start3A_82 = tpu.memref_squeeze %dma_start3A_81 : memref<1x128x32xf32, #tpu.memory_space<vmem>> -> memref<128x32xf32, #tpu.memory_space<vmem>>
      %dma_start3A_83 = arith.constant 0 : i32
      %dma_start3A_84 = tpu.memref_slice %arg4[%add3A_77, %dma_start3A_83] : memref<425984x32xf32, #tpu.memory_space<hbm>> -> memref<128x32xf32, #tpu.memory_space<hbm>>
      %dma_start3A_85 = arith.constant 0 : i32
      %dma_start3A_86 = tpu.memref_slice %arg4[%add3A_77, %dma_start3A_85] : memref<425984x32xf32, #tpu.memory_space<hbm>> -> memref<128x32xf32, #tpu.memory_space<hbm>>
      %dma_start3A_87 = arith.constant 0 : i32
      %dma_start3A_88 = arith.constant 0 : i32
      %dma_start3A_89 = tpu.memref_slice %arg6[%dma_start3A_78, %dma_start3A_87, %dma_start3A_88] : memref<2x128x32xf32, #tpu.memory_space<vmem>> -> memref<1x128x32xf32, #tpu.memory_space<vmem>>
      %dma_start3A_90 = tpu.memref_squeeze %dma_start3A_89 : memref<1x128x32xf32, #tpu.memory_space<vmem>> -> memref<128x32xf32, #tpu.memory_space<vmem>>
      tpu.enqueue_dma source(%dma_start3A_90 : memref<128x32xf32, #tpu.memory_space<vmem>>) target(%dma_start3A_86 : memref<128x32xf32, #tpu.memory_space<hbm>>) target_semaphore(%arg10 : memref<!tpu.dma_semaphore, #tpu.memory_space<semaphore_mem>>)
      %mul3A_91 = arith.constant 128 : i32
      %mul3A_92 = arith.muli %mul3A_35, %mul3A_91 : i32
      %add3A_93 = arith.addi %mul3A_4, %mul3A_92 : i32
      %dma_wait3A_94 = arith.constant 0 : i32
      %dma_wait3A_95 = arith.constant 0 : i32
      %dma_wait3A_96 = arith.constant 0 : i32
      %dma_wait3A_97 = tpu.memref_slice %arg6[%dma_wait3A_94, %dma_wait3A_95, %dma_wait3A_96] : memref<2x128x32xf32, #tpu.memory_space<vmem>> -> memref<1x128x32xf32, #tpu.memory_space<vmem>>
      %dma_wait3A_98 = tpu.memref_squeeze %dma_wait3A_97 : memref<1x128x32xf32, #tpu.memory_space<vmem>> -> memref<128x32xf32, #tpu.memory_space<vmem>>
      %dma_wait3A_99 = arith.constant 0 : i32
      %dma_wait3A_100 = tpu.memref_slice %arg4[%add3A_93, %dma_wait3A_99] : memref<425984x32xf32, #tpu.memory_space<hbm>> -> memref<128x32xf32, #tpu.memory_space<hbm>>
      %dma_wait3A_101 = arith.constant 0 : i32
      %dma_wait3A_102 = tpu.memref_slice %arg4[%add3A_93, %dma_wait3A_101] : memref<425984x32xf32, #tpu.memory_space<hbm>> -> memref<128x32xf32, #tpu.memory_space<hbm>>
      %dma_wait3A_103 = arith.constant 0 : i32
      %dma_wait3A_104 = arith.constant 0 : i32
      %dma_wait3A_105 = tpu.memref_slice %arg6[%dma_wait3A_94, %dma_wait3A_103, %dma_wait3A_104] : memref<2x128x32xf32, #tpu.memory_space<vmem>> -> memref<1x128x32xf32, #tpu.memory_space<vmem>>
      %dma_wait3A_106 = tpu.memref_squeeze %dma_wait3A_105 : memref<1x128x32xf32, #tpu.memory_space<vmem>> -> memref<128x32xf32, #tpu.memory_space<vmem>>
      tpu.wait_dma2 semaphore(%arg9 : memref<!tpu.dma_semaphore, #tpu.memory_space<semaphore_mem>>) src(%dma_wait3A_106 : memref<128x32xf32, #tpu.memory_space<vmem>>) dst(%dma_wait3A_102 : memref<128x32xf32, #tpu.memory_space<hbm>>)
      %lt3A = arith.constant 51 : i32
      %lt3A_107 = arith.cmpi slt, %scan3A_33, %lt3A : i32
      %convert_element_type3A = arith.extui %lt3A_107 : i1 to i32
      %cond3A = arith.constant 0 : i32
      %cond3A_108 = arith.cmpi ne, %convert_element_type3A, %cond3A : i32
      scf.if %cond3A_108 {
        %add3A_130 = arith.constant 2 : i32
        %add3A_131 = arith.addi %mul3A_35, %add3A_130 : i32
        %dma_start3A_132 = arith.constant 0 : i32
        %dma_start3A_133 = arith.constant 0 : i32
        %dma_start3A_134 = arith.constant 0 : i32
        %dma_start3A_135 = tpu.memref_slice %arg6[%dma_start3A_132, %dma_start3A_133, %dma_start3A_134] : memref<2x128x32xf32, #tpu.memory_space<vmem>> -> memref<1x128x32xf32, #tpu.memory_space<vmem>>
        %dma_start3A_136 = tpu.memref_squeeze %dma_start3A_135 : memref<1x128x32xf32, #tpu.memory_space<vmem>> -> memref<128x32xf32, #tpu.memory_space<vmem>>
        %dma_start3A_137 = arith.constant 0 : i32
        %dma_start3A_138 = tpu.memref_slice %arg5[%add3A_131, %dma_start3A_137] : memref<104x128xi32, #tpu.memory_space<vmem>> -> memref<1x128xi32, #tpu.memory_space<vmem>>
        %dma_start3A_139 = tpu.memref_squeeze %dma_start3A_138 : memref<1x128xi32, #tpu.memory_space<vmem>> -> memref<128xi32, #tpu.memory_space<vmem>>
        %dma_start3A_140 = arith.constant 0 : i32
        %dma_start3A_141 = arith.constant 0 : i32
        %dma_start3A_142 = tpu.memref_slice %arg3[%dma_start3A_140, %dma_start3A_141] : memref<2600000x32xf32, #tpu.memory_space<hbm>> -> memref<2600000x32xf32, #tpu.memory_space<hbm>>
        tpu.enqueue_indirect_dma source(%dma_start3A_142 : memref<2600000x32xf32, #tpu.memory_space<hbm>>) target(%dma_start3A_136 : memref<128x32xf32, #tpu.memory_space<vmem>>) offsets(%dma_start3A_139 : memref<128xi32, #tpu.memory_space<vmem>>) semaphore(%arg7 : memref<!tpu.dma_semaphore, #tpu.memory_space<semaphore_mem>>)
      } else {
      }
      %mul3A_109 = arith.constant 128 : i32
      %mul3A_110 = arith.muli %add3A_37, %mul3A_109 : i32
      %add3A_111 = arith.addi %mul3A_4, %mul3A_110 : i32
      %dma_wait3A_112 = arith.constant 1 : i32
      %dma_wait3A_113 = arith.constant 0 : i32
      %dma_wait3A_114 = arith.constant 0 : i32
      %dma_wait3A_115 = tpu.memref_slice %arg6[%dma_wait3A_112, %dma_wait3A_113, %dma_wait3A_114] : memref<2x128x32xf32, #tpu.memory_space<vmem>> -> memref<1x128x32xf32, #tpu.memory_space<vmem>>
      %dma_wait3A_116 = tpu.memref_squeeze %dma_wait3A_115 : memref<1x128x32xf32, #tpu.memory_space<vmem>> -> memref<128x32xf32, #tpu.memory_space<vmem>>
      %dma_wait3A_117 = arith.constant 0 : i32
      %dma_wait3A_118 = tpu.memref_slice %arg4[%add3A_111, %dma_wait3A_117] : memref<425984x32xf32, #tpu.memory_space<hbm>> -> memref<128x32xf32, #tpu.memory_space<hbm>>
      %dma_wait3A_119 = arith.constant 0 : i32
      %dma_wait3A_120 = tpu.memref_slice %arg4[%add3A_111, %dma_wait3A_119] : memref<425984x32xf32, #tpu.memory_space<hbm>> -> memref<128x32xf32, #tpu.memory_space<hbm>>
      %dma_wait3A_121 = arith.constant 0 : i32
      %dma_wait3A_122 = arith.constant 0 : i32
      %dma_wait3A_123 = tpu.memref_slice %arg6[%dma_wait3A_112, %dma_wait3A_121, %dma_wait3A_122] : memref<2x128x32xf32, #tpu.memory_space<vmem>> -> memref<1x128x32xf32, #tpu.memory_space<vmem>>
      %dma_wait3A_124 = tpu.memref_squeeze %dma_wait3A_123 : memref<1x128x32xf32, #tpu.memory_space<vmem>> -> memref<128x32xf32, #tpu.memory_space<vmem>>
      tpu.wait_dma2 semaphore(%arg10 : memref<!tpu.dma_semaphore, #tpu.memory_space<semaphore_mem>>) src(%dma_wait3A_124 : memref<128x32xf32, #tpu.memory_space<vmem>>) dst(%dma_wait3A_120 : memref<128x32xf32, #tpu.memory_space<hbm>>)
      %lt3A_125 = arith.constant 51 : i32
      %lt3A_126 = arith.cmpi slt, %scan3A_33, %lt3A_125 : i32
      %convert_element_type3A_127 = arith.extui %lt3A_126 : i1 to i32
      %cond3A_128 = arith.constant 0 : i32
      %cond3A_129 = arith.cmpi ne, %convert_element_type3A_127, %cond3A_128 : i32
      scf.if %cond3A_129 {
        %add3A_130 = arith.constant 2 : i32
        %add3A_131 = arith.addi %add3A_37, %add3A_130 : i32
        %dma_start3A_132 = arith.constant 1 : i32
        %dma_start3A_133 = arith.constant 0 : i32
        %dma_start3A_134 = arith.constant 0 : i32
        %dma_start3A_135 = tpu.memref_slice %arg6[%dma_start3A_132, %dma_start3A_133, %dma_start3A_134] : memref<2x128x32xf32, #tpu.memory_space<vmem>> -> memref<1x128x32xf32, #tpu.memory_space<vmem>>
        %dma_start3A_136 = tpu.memref_squeeze %dma_start3A_135 : memref<1x128x32xf32, #tpu.memory_space<vmem>> -> memref<128x32xf32, #tpu.memory_space<vmem>>
        %dma_start3A_137 = arith.constant 0 : i32
        %dma_start3A_138 = tpu.memref_slice %arg5[%add3A_131, %dma_start3A_137] : memref<104x128xi32, #tpu.memory_space<vmem>> -> memref<1x128xi32, #tpu.memory_space<vmem>>
        %dma_start3A_139 = tpu.memref_squeeze %dma_start3A_138 : memref<1x128xi32, #tpu.memory_space<vmem>> -> memref<128xi32, #tpu.memory_space<vmem>>
        %dma_start3A_140 = arith.constant 0 : i32
        %dma_start3A_141 = arith.constant 0 : i32
        %dma_start3A_142 = tpu.memref_slice %arg3[%dma_start3A_140, %dma_start3A_141] : memref<2600000x32xf32, #tpu.memory_space<hbm>> -> memref<2600000x32xf32, #tpu.memory_space<hbm>>
        tpu.enqueue_indirect_dma source(%dma_start3A_142 : memref<2600000x32xf32, #tpu.memory_space<hbm>>) target(%dma_start3A_136 : memref<128x32xf32, #tpu.memory_space<vmem>>) offsets(%dma_start3A_139 : memref<128xi32, #tpu.memory_space<vmem>>) semaphore(%arg8 : memref<!tpu.dma_semaphore, #tpu.memory_space<semaphore_mem>>)
      } else {
      }
    }
    %scan3A_32 = arith.constant 52 : i32
    return
  }
}

module attributes {stable_mosaic.version = 14 : i64} {
  func.func @_stage1_body(%arg0: i32, %arg1: memref<1024x832xf32, #tpu.memory_space<vmem>>, %arg2: memref<832x128xf32, #tpu.memory_space<vmem>>, %arg3: memref<1x128xf32, #tpu.memory_space<vmem>>, %arg4: memref<1x128xf32, #tpu.memory_space<vmem>>, %arg5: memref<1x128xf32, #tpu.memory_space<vmem>>, %arg6: memref<1024x128xf32, #tpu.memory_space<vmem>>, %arg7: memref<2x128xf32, #tpu.memory_space<vmem>>, %arg8: memref<1x128xf32, #tpu.memory_space<vmem>>, %arg9: memref<1x128xf32, #tpu.memory_space<vmem>>) attributes {dimension_semantics = [#tpu.dimension_semantics<arbitrary>], iteration_bounds = array<i64: 16>, scalar_prefetch = 0 : i64, scratch_operands = 2 : i64, tpu.core_type = #tpu.core_type<tc>, window_params = [{transform_indices = @transform_0, window_bounds = array<i64: 1024, 832>}, {pipeline_mode = #tpu.pipeline_mode<synchronous>, transform_indices = @transform_1, window_bounds = array<i64: 832, 128>}, {pipeline_mode = #tpu.pipeline_mode<synchronous>, transform_indices = @transform_2, window_bounds = array<i64: 1, 128>}, {pipeline_mode = #tpu.pipeline_mode<synchronous>, transform_indices = @transform_3, window_bounds = array<i64: 1, 128>}, {pipeline_mode = #tpu.pipeline_mode<synchronous>, transform_indices = @transform_4, window_bounds = array<i64: 1, 128>}, {transform_indices = @transform_5, window_bounds = array<i64: 1024, 128>}, {pipeline_mode = #tpu.pipeline_mode<synchronous>, transform_indices = @transform_6, window_bounds = array<i64: 2, 128>}]} {
    %get3A = arith.constant 0 : index
    %get3A_0 = arith.constant 0 : index
    %get3A_1 = vector.load %arg1[%get3A, %get3A_0] : memref<1024x832xf32, #tpu.memory_space<vmem>>, vector<1024x832xf32>
    %get3A_2 = arith.constant 0 : index
    %get3A_3 = arith.constant 0 : index
    %get3A_4 = vector.load %arg2[%get3A_2, %get3A_3] : memref<832x128xf32, #tpu.memory_space<vmem>>, vector<832x128xf32>
    %dot_general3A = arith.constant dense<0.000000e+00> : vector<1024x128xf32>
    %dot_general3A_5 = tpu.matmul %get3A_1, %get3A_4, %dot_general3A {dimension_numbers = #tpu.dot_dimension_numbers<[1], [0], [0], [1], [0, 0, 1, 1], [], []>, transpose_lhs_hint = false} : vector<1024x832xf32>, vector<832x128xf32>, vector<1024x128xf32> -> vector<1024x128xf32>
    %get3A_6 = arith.constant 0 : index
    %get3A_7 = arith.constant 0 : index
    %get3A_8 = vector.load %arg3[%get3A_6, %get3A_7] : memref<1x128xf32, #tpu.memory_space<vmem>>, vector<1x128xf32>
    %add3A = vector.broadcast %get3A_8 : vector<1x128xf32> to vector<1024x128xf32>
    %add3A_9 = arith.addf %dot_general3A_5, %add3A : vector<1024x128xf32>
    %max3A = arith.constant 0.000000e+00 : f32
    %max3A_10 = vector.broadcast %max3A : f32 to vector<1024x128xf32>
    %max3A_11 = arith.maximumf %add3A_9, %max3A_10 : vector<1024x128xf32>
    %swap3A = arith.constant 0 : index
    %swap3A_12 = arith.constant 0 : index
    %swap3A_13 = vector.load %arg6[%swap3A, %swap3A_12] : memref<1024x128xf32, #tpu.memory_space<vmem>>, vector<1024x128xf32>
    tpu.vector_store %arg6[%swap3A, %swap3A_12], %max3A_11 {strides = array<i32>} : memref<1024x128xf32, #tpu.memory_space<vmem>>, vector<1024x128xf32>,
    %reduce_sum3A = arith.constant dense<0.000000e+00> : vector<128xf32>
    %reduce_sum3A_14 = vector.multi_reduction <add>, %max3A_11, %reduce_sum3A [0] : vector<1024x128xf32> to vector<128xf32>
    %broadcast_in_dim3A = vector.shape_cast %reduce_sum3A_14 : vector<128xf32> to vector<1x128xf32>
    %mul3A = arith.mulf %max3A_11, %max3A_11 : vector<1024x128xf32>
    %reduce_sum3A_15 = arith.constant dense<0.000000e+00> : vector<128xf32>
    %reduce_sum3A_16 = vector.multi_reduction <add>, %mul3A, %reduce_sum3A_15 [0] : vector<1024x128xf32> to vector<128xf32>
    %broadcast_in_dim3A_17 = vector.shape_cast %reduce_sum3A_16 : vector<128xf32> to vector<1x128xf32>
    %eq3A = arith.constant 0 : i32
    %eq3A_18 = arith.cmpi eq, %arg0, %eq3A : i32
    %convert_element_type3A = arith.extui %eq3A_18 : i1 to i32
    %cond3A = arith.constant 0 : i32
    %cond3A_19 = arith.cmpi ne, %convert_element_type3A, %cond3A : i32
    scf.if %cond3A_19 {
      %swap3A_29 = arith.constant 0 : index
      %swap3A_30 = arith.constant 0 : index
      %swap3A_31 = vector.load %arg8[%swap3A_29, %swap3A_30] : memref<1x128xf32, #tpu.memory_space<vmem>>, vector<1x128xf32>
      tpu.vector_store %arg8[%swap3A_29, %swap3A_30], %broadcast_in_dim3A {strides = array<i32>} : memref<1x128xf32, #tpu.memory_space<vmem>>, vector<1x128xf32>,
      %swap3A_32 = arith.constant 0 : index
      %swap3A_33 = arith.constant 0 : index
      %swap3A_34 = vector.load %arg9[%swap3A_32, %swap3A_33] : memref<1x128xf32, #tpu.memory_space<vmem>>, vector<1x128xf32>
      tpu.vector_store %arg9[%swap3A_32, %swap3A_33], %broadcast_in_dim3A_17 {strides = array<i32>} : memref<1x128xf32, #tpu.memory_space<vmem>>, vector<1x128xf32>,
    } else {
    }
    %gt3A = arith.constant 0 : i32
    %gt3A_20 = arith.cmpi sgt, %arg0, %gt3A : i32
    %convert_element_type3A_21 = arith.extui %gt3A_20 : i1 to i32
    %cond3A_22 = arith.constant 0 : i32
    %cond3A_23 = arith.cmpi ne, %convert_element_type3A_21, %cond3A_22 : i32
    scf.if %cond3A_23 {
      %get3A_29 = arith.constant 0 : index
      %get3A_30 = arith.constant 0 : index
      %get3A_31 = vector.load %arg8[%get3A_29, %get3A_30] : memref<1x128xf32, #tpu.memory_space<vmem>>, vector<1x128xf32>
      %add3A_32 = arith.addf %get3A_31, %broadcast_in_dim3A : vector<1x128xf32>
      %swap3A_33 = arith.constant 0 : index
      %swap3A_34 = arith.constant 0 : index
      %swap3A_35 = vector.load %arg8[%swap3A_33, %swap3A_34] : memref<1x128xf32, #tpu.memory_space<vmem>>, vector<1x128xf32>
      tpu.vector_store %arg8[%swap3A_33, %swap3A_34], %add3A_32 {strides = array<i32>} : memref<1x128xf32, #tpu.memory_space<vmem>>, vector<1x128xf32>,
      %get3A_36 = arith.constant 0 : index
      %get3A_37 = arith.constant 0 : index
      %get3A_38 = vector.load %arg9[%get3A_36, %get3A_37] : memref<1x128xf32, #tpu.memory_space<vmem>>, vector<1x128xf32>
      %add3A_39 = arith.addf %get3A_38, %broadcast_in_dim3A_17 : vector<1x128xf32>
      %swap3A_40 = arith.constant 0 : index
      %swap3A_41 = arith.constant 0 : index
      %swap3A_42 = vector.load %arg9[%swap3A_40, %swap3A_41] : memref<1x128xf32, #tpu.memory_space<vmem>>, vector<1x128xf32>
      tpu.vector_store %arg9[%swap3A_40, %swap3A_41], %add3A_39 {strides = array<i32>} : memref<1x128xf32, #tpu.memory_space<vmem>>, vector<1x128xf32>,
    } else {
    }
    %eq3A_24 = arith.constant 15 : i32
    %eq3A_25 = arith.cmpi eq, %arg0, %eq3A_24 : i32
    %convert_element_type3A_26 = arith.extui %eq3A_25 : i1 to i32
    %cond3A_27 = arith.constant 0 : i32
    %cond3A_28 = arith.cmpi ne, %convert_element_type3A_26, %cond3A_27 : i32
    scf.if %cond3A_28 {
      %get3A_29 = arith.constant 0 : index
      %get3A_30 = arith.constant 0 : index
      %get3A_31 = vector.load %arg8[%get3A_29, %get3A_30] : memref<1x128xf32, #tpu.memory_space<vmem>>, vector<1x128xf32>
      %mul3A_32 = arith.constant 6.10351563E-5 : f32
      %mul3A_33 = vector.broadcast %mul3A_32 : f32 to vector<1x128xf32>
      %mul3A_34 = arith.mulf %get3A_31, %mul3A_33 : vector<1x128xf32>
      %get3A_35 = arith.constant 0 : index
      %get3A_36 = arith.constant 0 : index
      %get3A_37 = vector.load %arg9[%get3A_35, %get3A_36] : memref<1x128xf32, #tpu.memory_space<vmem>>, vector<1x128xf32>
      %mul3A_38 = arith.constant 6.10351563E-5 : f32
      %mul3A_39 = vector.broadcast %mul3A_38 : f32 to vector<1x128xf32>
      %mul3A_40 = arith.mulf %get3A_37, %mul3A_39 : vector<1x128xf32>
      %mul3A_41 = arith.mulf %mul3A_34, %mul3A_34 : vector<1x128xf32>
      %sub3A = arith.subf %mul3A_40, %mul3A_41 : vector<1x128xf32>
      %get3A_42 = arith.constant 0 : index
      %get3A_43 = arith.constant 0 : index
      %get3A_44 = vector.load %arg4[%get3A_42, %get3A_43] : memref<1x128xf32, #tpu.memory_space<vmem>>, vector<1x128xf32>
      %max3A_45 = arith.constant 0.000000e+00 : f32
      %max3A_46 = vector.broadcast %max3A_45 : f32 to vector<1x128xf32>
      %max3A_47 = arith.maximumf %sub3A, %max3A_46 : vector<1x128xf32>
      %add3A_48 = arith.constant 9.99999974E-6 : f32
      %add3A_49 = vector.broadcast %add3A_48 : f32 to vector<1x128xf32>
      %add3A_50 = arith.addf %max3A_47, %add3A_49 : vector<1x128xf32>
      %rsqrt3A = math.rsqrt %add3A_50 : vector<1x128xf32>
      %mul3A_51 = arith.mulf %get3A_44, %rsqrt3A : vector<1x128xf32>
      %swap3A_52 = arith.constant 0 : index
      %swap3A_53 = arith.constant 0 : index
      %swap3A_54 = vector.load %arg7[%swap3A_52, %swap3A_53] : memref<2x128xf32, #tpu.memory_space<vmem>>, vector<1x128xf32>
      tpu.vector_store %arg7[%swap3A_52, %swap3A_53], %mul3A_51 {strides = array<i32>} : memref<2x128xf32, #tpu.memory_space<vmem>>, vector<1x128xf32>,
      %get3A_55 = arith.constant 0 : index
      %get3A_56 = arith.constant 0 : index
      %get3A_57 = vector.load %arg5[%get3A_55, %get3A_56] : memref<1x128xf32, #tpu.memory_space<vmem>>, vector<1x128xf32>
      %mul3A_58 = arith.mulf %mul3A_34, %mul3A_51 : vector<1x128xf32>
      %sub3A_59 = arith.subf %get3A_57, %mul3A_58 : vector<1x128xf32>
      %swap3A_60 = arith.constant 1 : index
      %swap3A_61 = arith.constant 0 : index
      %swap3A_62 = vector.load %arg7[%swap3A_60, %swap3A_61] : memref<2x128xf32, #tpu.memory_space<vmem>>, vector<1x128xf32>
      tpu.vector_store %arg7[%swap3A_60, %swap3A_61], %sub3A_59 {strides = array<i32>} : memref<2x128xf32, #tpu.memory_space<vmem>>, vector<1x128xf32>,
    } else {
    }
    return
  }
  func.func @transform_0(%arg0: i32) -> (i32, i32) {
    %c0_i32 = arith.constant 0 : i32
    %c0_i32_0 = arith.constant 0 : i32
    return %arg0, %c0_i32 : i32, i32
  }
  func.func @transform_1(%arg0: i32) -> (i32, i32) {
    %c0_i32 = arith.constant 0 : i32
    %c0_i32_0 = arith.constant 0 : i32
    %c0_i32_1 = arith.constant 0 : i32
    return %c0_i32, %c0_i32_0 : i32, i32
  }
  func.func @transform_2(%arg0: i32) -> (i32, i32) {
    %c0_i32 = arith.constant 0 : i32
    %c0_i32_0 = arith.constant 0 : i32
    %c0_i32_1 = arith.constant 0 : i32
    return %c0_i32, %c0_i32_0 : i32, i32
  }
  func.func @transform_3(%arg0: i32) -> (i32, i32) {
    %c0_i32 = arith.constant 0 : i32
    %c0_i32_0 = arith.constant 0 : i32
    %c0_i32_1 = arith.constant 0 : i32
    return %c0_i32, %c0_i32_0 : i32, i32
  }
  func.func @transform_4(%arg0: i32) -> (i32, i32) {
    %c0_i32 = arith.constant 0 : i32
    %c0_i32_0 = arith.constant 0 : i32
    %c0_i32_1 = arith.constant 0 : i32
    return %c0_i32, %c0_i32_0 : i32, i32
  }
  func.func @transform_5(%arg0: i32) -> (i32, i32) {
    %c0_i32 = arith.constant 0 : i32
    %c0_i32_0 = arith.constant 0 : i32
    return %arg0, %c0_i32 : i32, i32
  }
  func.func @transform_6(%arg0: i32) -> (i32, i32) {
    %c0_i32 = arith.constant 0 : i32
    %c0_i32_0 = arith.constant 0 : i32
    %c0_i32_1 = arith.constant 0 : i32
    return %c0_i32, %c0_i32_0 : i32, i32
  }
}

module attributes {stable_mosaic.version = 14 : i64} {
  func.func @_stage2_body(%arg0: i32, %arg1: memref<1024x128xf32, #tpu.memory_space<vmem>>, %arg2: memref<2x128xf32, #tpu.memory_space<vmem>>, %arg3: memref<128x64xf32, #tpu.memory_space<vmem>>, %arg4: memref<1x64xf32, #tpu.memory_space<vmem>>, %arg5: memref<64x1xf32, #tpu.memory_space<vmem>>, %arg6: memref<1x1xf32, #tpu.memory_space<vmem>>, %arg7: memref<1024x1xf32, #tpu.memory_space<vmem>>) attributes {dimension_semantics = [#tpu.dimension_semantics<arbitrary>], iteration_bounds = array<i64: 16>, scalar_prefetch = 0 : i64, scratch_operands = 0 : i64, tpu.core_type = #tpu.core_type<tc>, window_params = [{transform_indices = @transform_0, window_bounds = array<i64: 1024, 128>}, {pipeline_mode = #tpu.pipeline_mode<synchronous>, transform_indices = @transform_1, window_bounds = array<i64: 2, 128>}, {pipeline_mode = #tpu.pipeline_mode<synchronous>, transform_indices = @transform_2, window_bounds = array<i64: 128, 64>}, {pipeline_mode = #tpu.pipeline_mode<synchronous>, transform_indices = @transform_3, window_bounds = array<i64: 1, 64>}, {pipeline_mode = #tpu.pipeline_mode<synchronous>, transform_indices = @transform_4, window_bounds = array<i64: 64, 1>}, {pipeline_mode = #tpu.pipeline_mode<synchronous>, transform_indices = @transform_5, window_bounds = array<i64: 1, 1>}, {transform_indices = @transform_6, window_bounds = array<i64: 1024, 1>}]} {
    %get3A = arith.constant 0 : index
    %get3A_0 = arith.constant 0 : index
    %get3A_1 = vector.load %arg1[%get3A, %get3A_0] : memref<1024x128xf32, #tpu.memory_space<vmem>>, vector<1024x128xf32>
    %get3A_2 = arith.constant 0 : index
    %get3A_3 = arith.constant 0 : index
    %get3A_4 = vector.load %arg2[%get3A_2, %get3A_3] : memref<2x128xf32, #tpu.memory_space<vmem>>, vector<1x128xf32>
    %mul3A = vector.broadcast %get3A_4 : vector<1x128xf32> to vector<1024x128xf32>
    %mul3A_5 = arith.mulf %get3A_1, %mul3A : vector<1024x128xf32>
    %get3A_6 = arith.constant 1 : index
    %get3A_7 = arith.constant 0 : index
    %get3A_8 = vector.load %arg2[%get3A_6, %get3A_7] : memref<2x128xf32, #tpu.memory_space<vmem>>, vector<1x128xf32>
    %add3A = vector.broadcast %get3A_8 : vector<1x128xf32> to vector<1024x128xf32>
    %add3A_9 = arith.addf %mul3A_5, %add3A : vector<1024x128xf32>
    %get3A_10 = arith.constant 0 : index
    %get3A_11 = arith.constant 0 : index
    %get3A_12 = vector.load %arg3[%get3A_10, %get3A_11] : memref<128x64xf32, #tpu.memory_space<vmem>>, vector<128x64xf32>
    %dot_general3A = arith.constant dense<0.000000e+00> : vector<1024x64xf32>
    %dot_general3A_13 = tpu.matmul %add3A_9, %get3A_12, %dot_general3A {dimension_numbers = #tpu.dot_dimension_numbers<[1], [0], [0], [1], [0, 0, 1, 1], [], []>, transpose_lhs_hint = false} : vector<1024x128xf32>, vector<128x64xf32>, vector<1024x64xf32> -> vector<1024x64xf32>
    %get3A_14 = arith.constant 0 : index
    %get3A_15 = arith.constant 0 : index
    %get3A_16 = vector.load %arg4[%get3A_14, %get3A_15] : memref<1x64xf32, #tpu.memory_space<vmem>>, vector<1x64xf32>
    %add3A_17 = vector.broadcast %get3A_16 : vector<1x64xf32> to vector<1024x64xf32>
    %add3A_18 = arith.addf %dot_general3A_13, %add3A_17 : vector<1024x64xf32>
    %max3A = arith.constant 0.000000e+00 : f32
    %max3A_19 = vector.broadcast %max3A : f32 to vector<1024x64xf32>
    %max3A_20 = arith.maximumf %add3A_18, %max3A_19 : vector<1024x64xf32>
    %get3A_21 = arith.constant 0 : index
    %get3A_22 = arith.constant 0 : index
    %get3A_23 = vector.load %arg5[%get3A_21, %get3A_22] : memref<64x1xf32, #tpu.memory_space<vmem>>, vector<64x1xf32>
    %dot_general3A_24 = arith.constant dense<0.000000e+00> : vector<1024x1xf32>
    %dot_general3A_25 = tpu.matmul %max3A_20, %get3A_23, %dot_general3A_24 {dimension_numbers = #tpu.dot_dimension_numbers<[1], [0], [0], [1], [0, 0, 1, 1], [], []>, transpose_lhs_hint = false} : vector<1024x64xf32>, vector<64x1xf32>, vector<1024x1xf32> -> vector<1024x1xf32>
    %get3A_26 = arith.constant 0 : index
    %get3A_27 = arith.constant 0 : index
    %get3A_28 = vector.load %arg6[%get3A_26, %get3A_27] : memref<1x1xf32, #tpu.memory_space<vmem>>, vector<1x1xf32>
    %add3A_29 = vector.broadcast %get3A_28 : vector<1x1xf32> to vector<1024x1xf32>
    %add3A_30 = arith.addf %dot_general3A_25, %add3A_29 : vector<1024x1xf32>
    %swap3A = arith.constant 0 : index
    %swap3A_31 = arith.constant 0 : index
    %swap3A_32 = vector.load %arg7[%swap3A, %swap3A_31] : memref<1024x1xf32, #tpu.memory_space<vmem>>, vector<1024x1xf32>
    tpu.vector_store %arg7[%swap3A, %swap3A_31], %add3A_30 {strides = array<i32>} : memref<1024x1xf32, #tpu.memory_space<vmem>>, vector<1024x1xf32>,
    return
  }
  func.func @transform_0(%arg0: i32) -> (i32, i32) {
    %c0_i32 = arith.constant 0 : i32
    %c0_i32_0 = arith.constant 0 : i32
    return %arg0, %c0_i32 : i32, i32
  }
  func.func @transform_1(%arg0: i32) -> (i32, i32) {
    %c0_i32 = arith.constant 0 : i32
    %c0_i32_0 = arith.constant 0 : i32
    %c0_i32_1 = arith.constant 0 : i32
    return %c0_i32, %c0_i32_0 : i32, i32
  }
  func.func @transform_2(%arg0: i32) -> (i32, i32) {
    %c0_i32 = arith.constant 0 : i32
    %c0_i32_0 = arith.constant 0 : i32
    %c0_i32_1 = arith.constant 0 : i32
    return %c0_i32, %c0_i32_0 : i32, i32
  }
  func.func @transform_3(%arg0: i32) -> (i32, i32) {
    %c0_i32 = arith.constant 0 : i32
    %c0_i32_0 = arith.constant 0 : i32
    %c0_i32_1 = arith.constant 0 : i32
    return %c0_i32, %c0_i32_0 : i32, i32
  }
  func.func @transform_4(%arg0: i32) -> (i32, i32) {
    %c0_i32 = arith.constant 0 : i32
    %c0_i32_0 = arith.constant 0 : i32
    %c0_i32_1 = arith.constant 0 : i32
    return %c0_i32, %c0_i32_0 : i32, i32
  }
  func.func @transform_5(%arg0: i32) -> (i32, i32) {
    %c0_i32 = arith.constant 0 : i32
    %c0_i32_0 = arith.constant 0 : i32
    %c0_i32_1 = arith.constant 0 : i32
    return %c0_i32, %c0_i32_0 : i32, i32
  }
  func.func @transform_6(%arg0: i32) -> (i32, i32) {
    %c0_i32 = arith.constant 0 : i32
    %c0_i32_0 = arith.constant 0 : i32
    return %arg0, %c0_i32 : i32, i32
  }
}

</mosaic_0001>

<sc_bundles>
// kernel: kernel.5.cloned.1.call-start
scs
__scs_entry_jumppad:
0x0: {  	(pc) =	sbr.rel $0x88, $3  }
0x1: {  	(tag) =	ssettag $0x0;
	lr =	simm.s32 $0x1  }
0x2: {  	[smem:$0x3F97] =	sst lr;
	_ =	strace $0xD0000000  }
0x3: {  	_ = 	snop  }
0x4: {  	_ = 	snop  }
0x5: {  	_ = 	snop  }
0x6: {  	_ = 	snop  }
0x7: {  	_ = 	snop  }
__scs_overlays_trampoline_lowered:
0x8: {  	[smem:$0x3FA6] =	sst s0  }
0x9: {  	[smem:$0x3FA7] =	sst s1  }
0xa: {  	[smem:$0x3FA8] =	sst s2  }
0xb: {  	[smem:$0x3FA9] =	sst s3  }
0xc: {  	[smem:$0x3FAA] =	sst s4  }
0xd: {  	[smem:$0x3FAB] =	sst s5  }
0xe: {  	[smem:$0x3FAC] =	sst s6  }
0xf: {  	[smem:$0x3FAD] =	sst s7  }
0x10: {  	[smem:$0x3FAE] =	sst s8  }
0x11: {  	[smem:$0x3FAF] =	sst s9;
	s0 =	simm.s32 @!p0 $0x0  }
0x12: {  	s1 =	sld [smem:$0x3F95];
	s0 =	simm.s32 @p0 $0x1  }
0x13: {  	[smem:$0x3FB0] =	sst s0;
	s0 =	simm.s32 @!p1 $0x0  }
0x14: {  	s2 =	sld [smem:$0x3F94];
	s0 =	simm.s32 @p1 $0x1  }
0x15: {  	[smem:$0x3FB1] =	sst s0;
	s0 =	simm.s32 @!p2 $0x0  }
0x16: {  	s3 =	sld [smem:$0x3FDB];
	s0 =	simm.s32 @p2 $0x1  }
0x17: {  	s4 =	simm.s32 $0x1BF5;
	[smem:$0x3FB3] =	sst s0  }
0x18: {  	s0 =	sld [smem:$0x3F96];
	_ =	swait.ge [sflag:s4], $0x0  }
0x19: {  	s7 =	sld [smem:$0x3F97]  }
0x1a: {  	s8 =	sadd.s32 $0xFFFFE003, lr  }
0x1b: {  	s9 =	sadd.s32 $0xFFFFFEF7, lr;
	s5 =	simm.s32 $0xFFFFFFFF;
	p2 =	slt.u32 s8, $0xFFFFF086  }
0x1c: {  	p1 =	slt.u32 s9, $0xF7A;
	s5 =	simm.s32 @!p2 $0x0  }
0x1d: {  	s5 =	simm.s32 @p1 $0x1;
	p0 =	seq.s32 s7, s2  }
0x1e: {  	s7 =	smul.u32 @!p0 $0xF7A, s2;
	p2 =	seq.s32 @!p0 s5, $0x0  }
0x1f: {  	s9 =	smul.u32 $0xF7A, s1;
	s8 =	simm.s32 @!p0 $0x1BF5;
	p2 =	por !p2, p0  }
0x20: {  	[sflag:s8] =	ssyncset.s32 @!p0 $0xFFFFF086;
	s6 =	sadd.s32 @!p0 s3, s7;
	s7 =	simm.s32 @!p0 $0x108  }
0x21: {  	s3 =	sadd.s32 s3, s9;
	s6 =	sadd.s32 @!p0 $0x88, s6;
	s7 =	simm.s32 @p2 $0x1082  }
0x22: {  	[simem:s7], [sflag:s8] =	dma.local @!p0 [hbm:s6], $0xF7A  }
0x23: {  	s9 =	sor.u32 $0xD0000000, s2;
	s6 =	simm.s32 $0x108;
	_ =	swait.ge @!p0 [sflag:s8], $0x0  }
0x24: {  	s3 =	sadd.s32 $0x88, s3;
	s6 =	simm.s32 @!p1 $0x1082;
	[sflag:s4] =	ssyncset.s32 $0xFFFFF086  }
0x25: {  	[simem:s6], [sflag:s4] =	dma.local [hbm:s3], $0xF7A  }
0x26: {  	[smem:$0x3F97] =	sst s1;
	(tag) =	ssettag s2;
	_ =	strace s9  }
0x27: {  	s1 =	sld [smem:$0x3FA7]  }
0x28: {  	s2 =	sld [smem:$0x3FA8]  }
0x29: {  	s4 =	sld [smem:$0x3FAA]  }
0x2a: {  	p0 =	seq.s32 s5, $0x0;
	s5 =	sld [smem:$0x3FAB]  }
0x2b: {  	s6 =	sld [smem:$0x3FAC]  }
0x2c: {  	s7 =	sld [smem:$0x3FAD]  }
0x2d: {  	s3 =	simm.s32 $0x108;
	s8 =	sld [smem:$0x3FAE]  }
0x2e: {  	s3 =	simm.s32 @!p0 $0x1082;
	s9 =	sld [smem:$0x3FAF]  }
0x2f: {  	lr =	sadd.s32 s0, s3;
	s0 =	sld [smem:$0x3FA6]  }
0x30: {  	s3 =	sld [smem:$0x3FA9]  }
0x31: {  	[smem:$0x3FB2] =	sst s10  }
0x32: {  	s10 =	sld [smem:$0x3FB0];
	_ =	sdelay $0x3  }
0x33: {  	p0 =	seq.s32 s10, $0x1;
	s10 =	sld [smem:$0x3FB2];
	_ =	sdelay $0x3  }
0x34: {  	[smem:$0x3FB2] =	sst s10  }
0x35: {  	s10 =	sld [smem:$0x3FB1];
	_ =	sdelay $0x3  }
0x36: {  	p1 =	seq.s32 s10, $0x1;
	s10 =	sld [smem:$0x3FB2];
	_ =	sdelay $0x3  }
0x37: {  	[smem:$0x3FB2] =	sst s10  }
0x38: {  	s10 =	sld [smem:$0x3FB3]  }
0x39: {  	_ = 	snop;
	(pc) =	sbr.ind lr, $3  }
0x3a: {  	_ = 	snop  }
0x3b: {  	_ = 	snop  }
0x3c: {  	p2 =	seq.s32 s10, $0x1;
	s10 =	sld [smem:$0x3FB2]  }
0x3d: {  	_ =	shalt  }
0x3e: {  	_ =	shalt  }
0x3f: {  	_ =	shalt  }
0x40: {  	_ =	shalt  }
0x41: {  	_ =	shalt  }
0x42: {  	_ =	shalt  }
0x43: {  	_ =	shalt  }
0x44: {  	_ =	shalt  }
0x45: {  	_ =	shalt  }
0x46: {  	_ =	shalt  }
0x47: {  	_ =	shalt  }
0x48: {  	_ =	shalt  }
0x49: {  	_ =	shalt  }
0x4a: {  	_ =	shalt  }
0x4b: {  	_ =	shalt  }
0x4c: {  	_ =	shalt  }
0x4d: {  	_ =	shalt  }
0x4e: {  	_ =	shalt  }
0x4f: {  	_ =	shalt  }
0x50: {  	_ =	shalt  }
0x51: {  	_ =	shalt  }
0x52: {  	_ =	shalt  }
0x53: {  	_ =	shalt  }
0x54: {  	_ =	shalt  }
0x55: {  	_ =	shalt  }
0x56: {  	_ =	shalt  }
0x57: {  	_ =	shalt  }
0x58: {  	_ =	shalt  }
0x59: {  	_ =	shalt  }
0x5a: {  	_ =	shalt  }
0x5b: {  	_ =	shalt  }
0x5c: {  	_ =	shalt  }
0x5d: {  	_ =	shalt  }
0x5e: {  	_ =	shalt  }
0x5f: {  	_ =	shalt  }
0x60: {  	_ =	shalt  }
0x61: {  	_ =	shalt  }
0x62: {  	_ =	shalt  }
0x63: {  	_ =	shalt  }
0x64: {  	_ =	shalt  }
0x65: {  	_ =	shalt  }
0x66: {  	_ =	shalt  }
0x67: {  	_ =	shalt  }
0x68: {  	_ =	shalt  }
0x69: {  	_ =	shalt  }
0x6a: {  	_ =	shalt  }
0x6b: {  	_ =	shalt  }
0x6c: {  	_ =	shalt  }
0x6d: {  	_ =	shalt  }
0x6e: {  	_ =	shalt  }
0x6f: {  	_ =	shalt  }
0x70: {  	_ =	shalt  }
0x71: {  	_ =	shalt  }
0x72: {  	_ =	shalt  }
0x73: {  	_ =	shalt  }
0x74: {  	_ =	shalt  }
0x75: {  	_ =	shalt  }
0x76: {  	_ =	shalt  }
0x77: {  	_ =	shalt  }
0x78: {  	_ =	shalt  }
0x79: {  	_ =	shalt  }
0x7a: {  	_ =	shalt  }
0x7b: {  	_ =	shalt  }
0x7c: {  	_ =	shalt  }
0x7d: {  	_ =	shalt  }
0x7e: {  	_ =	shalt  }
0x7f: {  	_ =	shalt  }
0x80: {  	_ =	shalt  }
0x81: {  	_ =	shalt  }
0x82: {  	_ =	shalt  }
0x83: {  	_ =	shalt  }
0x84: {  	_ =	shalt  }
0x85: {  	_ =	shalt  }
0x86: {  	_ =	shalt  }
0x87: {  	_ =	shalt  }
.Lfunc_end0:
.L_simem_size_0:
called_computation_lowered:
.L_overlay_start_0:
0x88: {  	s2 =	sld [smem:$0x3FD9]  }
0x89: {  	s3 =	sld [smem:$0x3FFE];
	_ =	sdelay $0x1  }
0x8a: {  	s1 =	srdreg.scid  }
0x8b: {  	s0 =	sand.u32 $0x1, s1  }
0x8c: {  	s16 =	sshll.u32 s0, $0xA;
	s2 =	sadd.s32 s3, s2  }
0x8d: {  	s2 =	sadd.s32 s2, s16  }
0x8e: {  	[smem:$0x3FBE] =	sst s2  }
0x8f: {  	_ = 	snop  }
0x90: {  	(tm) =	ssettm $0x1  }
0x91: {  	s17 =	sld [smem:$0x3FFB];
	_ =	sdelay $0x3  }
0x92: {  	_ =	strace s17  }
0x93: {  	s2 =	sld [smem:$0x3FFC];
	_ =	sdelay $0x3  }
0x94: {  	_ =	strace s2  }
0x95: {  	s2 =	sld [smem:$0x3FFD];
	_ =	sdelay $0x3  }
0x96: {  	_ =	strace s2  }
0x97: {  	_ =	strace $0x8FFFFFFF  }
0x98: {  	s18 =	sld [smem:$0x3FDB];
	_ =	sdelay $0x1  }
0x99: {  	s19 =	simm.s32 $_scs_section_size  }
0x9a: {  	s4 =	simm.s32 $_size__tile_overlayer_lowered;
	s5 =	simm.s32 $_tile_overlayer_lowered  }
0x9b: {  	s22 =	simm.s32 $0x1BFF;
	s21 =	sshll.u32 s5, $0x1;
	s2 =	sadd.s32 s19, s18  }
0x9c: {  	s6 =	simm.s32 $0x0;
	s20 =	sshll.u32 s4, $0x1;
	s4 =	sadd.s32 s21, s2  }
0x9d: {  	[timem:s6], [sflag:s22] =	dma.local [hbm:s4], s20  }
0x9e: {  	_ =	swait.ge [sflag:s22], s20  }
0x9f: {  	s3 =	ssub.s32 $0x0, s20;
	[sflag:s22] =	ssyncset.done $0x0  }
0xa0: {  	[sflag:s22] =	ssyncadd.s32 s3;
	_ =	sdelay $0x1  }
0xa1: {  	s23 =	simm.s32 $0x1B8B  }
0xa2: {  	_ =	swait.ge [sflag:s23], $0x1  }
0xa3: {  	[sflag:s23] =	ssyncset.done $0x0  }
0xa4: {  	s25 =	simm.s32 $0x1B8E;
	s24 =	sld [smem:$0x3FFE];
	[sflag:s23] =	ssyncadd.s32 $0xFFFFFFFF  }
0xa5: {  	s26 =	simm.s32 $execute0_lowered;
	[smem:$0x3FD2] =	sst s25  }
0xa6: {  	s4 =	sshll.u32 s26, $0x1;
	_ =	strace $0x80000046;
	[dreg:$0x1] =	wrdreg $0xFFFFFFFF  }
0xa7: {  	s28 =	simm.s32 $_size_execute0_lowered;
	s2 =	sadd.s32 s2, s4;
	[dreg:$0x0] =	wrdreg $0x0  }
0xa8: {  	s4 =	sshll.u32 s28, $0x1;
	[dreg:$0x2] =	wrdreg s2  }
0xa9: {  	[dreg:$0x3] =	wrdreg s4  }
0xaa: {  	[dreg:$0x4] =	wrdreg $0xC0  }
0xab: {  	_ =	task [dreg:s6], $0x5FFFF  }
0xac: {  	[dreg:$0x1] =	wrdreg $0xFFFFFFFF  }
0xad: {  	[dreg:$0x0] =	wrdreg $0x60  }
0xae: {  	[dreg:$0x2] =	wrdreg s24  }
0xaf: {  	[dreg:$0x3] =	wrdreg $0x9  }
0xb0: {  	_ =	task.clear_ibuf [dreg:s6], $0x4FFFF;
	_ =	strace $0x90000046  }
0xb1: {  	s29 =	simm.s32 $0x9;
	_ =	strace $0x80000048  }
0xb2: {  	_ =	swait.ge [sflag:s29], $0x1  }
0xb3: {  	[sflag:s29] =	ssyncadd.s32 $0xFFFFFFFF  }
0xb4: {  	_ =	strace $0x90000048  }
0xb5: {  	_ =	sfence  }
0xb6: {  	s30 =	sld [smem:$0x0];
	_ =	sdelay $0x2  }
0xb7: {  	s31 =	sshll.u32 s1, $0xD;
	s1 =	sshrl.u32 s1, $0x2  }
0xb8: {  	s3 =	sand.u32 $0x4000, s31;
	s1 =	sadd.s32 s1, s30  }
0xb9: {  	s0 =	sor.u32 s3, s0;
	s1 =	sshll.u32 s1, $0x11  }
0xba: {  	s0 =	sor.u32 s1, s0  }
0xbb: {  	s0 =	sadd.s32 $0x8F2B, s0  }
0xbc: {  	[sflag:s0] =	ssyncadd.remote.s32 $0x1  }
0xbd: {  	_ =	sfence.sel $0xFFFF  }
0xbe: {  	[dreg:$0x0] =	wrdreg $0xFFFFFFFF;
	(pc) =	sbr.abs _section_cstart, $3  }
0xbf: {  	[dreg:$0x1] =	wrdreg $0xFFFFFFFF  }
0xc0: {  	_ =	task.clear_ibuf [dreg:s6], $0x2FFFF;
	_ =	strace $0x9FFFFFFF  }
0xc1: {  	(tm) =	ssettm $0x7FFFFFFF  }
tec
execute0_lowered:
.L_overlay_start_1:
0x0: {  	(tag) =	ssettag $0x1  }
0x1: {  	s1 =	srdreg.scid  }
0x2: {  	s0 =	stileid.u32;
	s4 =	rddreg [dreg:$0x0]  }
0x3: {  	s2 =	simm.s32 $0x0;
	s14 =	simm.s32 $0x1;
	s11 =	smul.u32 $0x1A000, s0  }
0x4: {  	s15 =	simm.s32 $0x2;
	s6 =	sand.u32 $0x1, s1;
	s29 =	smul.u32 $0xD0000, s0  }
0x5: {  	s16 =	simm.s32 $0x3;
	s3 =	sshll.u32 s0, $0x1;
	s13 =	smul.u32 $0x68000, s6  }
0x6: {  	s17 =	simm.s32 $0x4;
	s3 =	sor.u32 s6, s3;
	s30 =	smul.u32 $0xD000, s6  }
0x7: {  	s18 =	simm.s32 $0x0;
	s1 =	rddreg [dreg:$0x1];
	s5 =	smul.u32 $0x680, s3  }
0x8: {  	[smem:$0x7FF] =	sst s2;
	s12 =	sadd.s32 $0xE800, s4;
	s7 =	smul.u32 $0x68000, s3  }
0x9: {  	_ =	strace $0x80000047;
	s8 =	ssub.s32 $0x2, s6;
	s9 =	smul.u32 $0xD000, s3  }
0xa: {  	s3 =	sadd.s32 $0x27ADC00, s4;
	s10 =	sshrl.u32 s8, $0x1;
	s31 =	sadd.s32 s11, s12  }
0xb: {  	s11 =	simm.s32 $0x80;
	s8 =	ssub.s32 s8, s10;
	s10 =	sadd.s32 s13, s29  }
0xc: {  	s13 =	simm.s32 $0x4400;
	s5 =	sadd.s32 s5, s4;
	s7 =	sshrl.u32 s7, $0x3  }
0xd: {  	s9 =	sadd.s32 s9, s12;
	s10 =	sshrl.u32 s10, $0x3;
	s4 =	sadd.s32 $0x1800, s5  }
0xe: {  	s5 =	smax.u32 s8, $0x1;
	s7 =	sadd.s32 s12, s7;
	s8 =	sadd.s32 s30, s31  }
0xf: {  	s6 =	sadd.s32 $0xCC00, s7;
	s7 =	sadd.s32 $0xCE00, s9;
	s8 =	sadd.s32 $0x200, s8  }
0x10: {  	s9 =	sadd.s32 s10, s12;
	s10 =	simm.s32 $0x5;
	s12 =	simm.s32 $0x3400  }
.LBB2_1:
0x11: {  	[tilespmem:s2], [sflag:$0x5] =	stream.linear.gather [hbm4b:s4+s2], $0x3400, $0x38;
	[tilespmem:$0x5400] =	vst v63  }
0x12: {  	_ =	swait.ge [sflag:s10], $0x3400  }
0x13: {  	[sflag:s10] =	ssyncset.done $0x0  }
0x14: {  	[sflag:s10] =	ssyncadd.s32 $0xFFFFCC00  }
0x15: {  	[tilespmem:s12], [sflag:$0x1] =	stream.indirect.gather [hbm4b:s3+s11], $0x20, s2, s11, $0xb8;
	[tilespmem:$0x5400] =	vst v63  }
0x16: {  	_ = 	snop  }
0x17: {  	[tilespmem:s13], [sflag:$0x2] =	stream.indirect.gather [hbm4b:s3+s11], $0x20, s11, s11, $0xb8;
	[tilespmem:$0x5400] =	vst v63  }
0x18: {  	_ =	swait.ge [sflag:s14], $0x1000  }
0x19: {  	[sflag:s14] =	ssyncset.done $0x0  }
0x1a: {  	s19 =	sadd.s32 $0x0, s9;
	[sflag:s14] =	ssyncadd.s32 $0xFFFFF000  }
0x1b: {  	[hbm4b:s19+s2] =	stream.linear.scatter [tilespmem:s12], [sflag:$0x3], $0x1000, $0x38;
	[tilespmem:$0x5400] =	vst v63  }
0x1c: {  	_ =	swait.ge [sflag:s15], $0x1000  }
0x1d: {  	[sflag:s15] =	ssyncset.done $0x0  }
0x1e: {  	s30 =	sadd.s32 $0x0, s8;
	[sflag:s15] =	ssyncadd.s32 $0xFFFFF000  }
0x1f: {  	[hbm4b:s30+s2] =	stream.linear.scatter [tilespmem:s13], [sflag:$0x4], $0x1000, $0x38;
	[tilespmem:$0x5400] =	vst v63  }
0x20: {  	_ =	swait.ge [sflag:s16], $0x1000  }
0x21: {  	[sflag:s16] =	ssyncset.done $0x0  }
0x22: {  	s31 =	simm.s32 $0x100;
	[sflag:s16] =	ssyncadd.s32 $0xFFFFF000  }
0x23: {  	[tilespmem:s12], [sflag:$0x1] =	stream.indirect.gather [hbm4b:s3+s11], $0x20, s31, s11, $0xb8;
	[tilespmem:$0x5400] =	vst v63  }
0x24: {  	_ =	swait.ge [sflag:s17], $0x1000  }
0x25: {  	[sflag:s17] =	ssyncset.done $0x0  }
0x26: {  	s20 =	simm.s32 $0x180;
	s19 =	simm.s32 $0x400;
	[sflag:s17] =	ssyncadd.s32 $0xFFFFF000  }
.LBB2_2:
0x27: {  	[tilespmem:s13], [sflag:$0x2] =	stream.indirect.gather [hbm4b:s3+s11], $0x20, s20, s11, $0xb8;
	[tilespmem:$0x5400] =	vst v63  }
0x28: {  	s20 =	smov.u32 s19  }
0x29: {  	p0 =	sne.s32 s19, $0xC800;
	s19 =	sadd.s32 $0x400, s19;
	_ =	swait.ge [sflag:s14], $0x1000  }
0x2a: {  	[sflag:s14] =	ssyncset.done $0x0  }
0x2b: {  	s21 =	sadd.s32 s20, s9;
	[sflag:s14] =	ssyncadd.s32 $0xFFFFF000  }
0x2c: {  	[hbm4b:s21+s2] =	stream.linear.scatter [tilespmem:s12], [sflag:$0x3], $0x1000, $0x38;
	[tilespmem:$0x5400] =	vst v63  }
0x2d: {  	_ =	swait.ge [sflag:s15], $0x1000  }
0x2e: {  	[sflag:s15] =	ssyncset.done $0x0  }
0x2f: {  	s21 =	sadd.s32 s20, s8;
	[sflag:s15] =	ssyncadd.s32 $0xFFFFF000  }
0x30: {  	[hbm4b:s21+s2] =	stream.linear.scatter [tilespmem:s13], [sflag:$0x4], $0x1000, $0x38;
	[tilespmem:$0x5400] =	vst v63  }
0x31: {  	_ =	swait.ge [sflag:s16], $0x1000  }
0x32: {  	s20 =	sshra.s32 s20, $0x2;
	[sflag:s16] =	ssyncset.done $0x0  }
.Ltmp0:
0x33: {  	s21 =	sadd.s32 $0x100, s20;
	[sflag:s16] =	ssyncadd.s32 $0xFFFFF000;
	(pc) =	sbr.rel @p0 .LBB2_2-.Ltmp0, $4  }
0x34: {  	[tilespmem:s12], [sflag:$0x1] =	stream.indirect.gather [hbm4b:s3+s11], $0x20, s21, s11, $0xb8;
	[tilespmem:$0x5400] =	vst v63  }
0x35: {  	_ =	swait.ge [sflag:s17], $0x1000  }
0x36: {  	[sflag:s17] =	ssyncset.done $0x0  }
0x37: {  	s20 =	sadd.s32 $0x180, s20;
	[sflag:s17] =	ssyncadd.s32 $0xFFFFF000  }
0x38: {  	[tilespmem:s13], [sflag:$0x2] =	stream.indirect.gather [hbm4b:s3+s11], $0x20, s20, s11, $0xb8;
	[tilespmem:$0x5400] =	vst v63  }
0x39: {  	_ =	swait.ge [sflag:s14], $0x1000  }
0x3a: {  	[sflag:s14] =	ssyncset.done $0x0  }
0x3b: {  	[sflag:s14] =	ssyncadd.s32 $0xFFFFF000  }
0x3c: {  	[hbm4b:s6+s2] =	stream.linear.scatter [tilespmem:s12], [sflag:$0x3], $0x1000, $0x38;
	[tilespmem:$0x5400] =	vst v63  }
0x3d: {  	_ =	swait.ge [sflag:s15], $0x1000  }
0x3e: {  	[sflag:s15] =	ssyncset.done $0x0  }
0x3f: {  	s18 =	sadd.s32 $0x1, s18;
	[sflag:s15] =	ssyncadd.s32 $0xFFFFF000  }
0x40: {  	[hbm4b:s7+s2] =	stream.linear.scatter [tilespmem:s13], [sflag:$0x4], $0x1000, $0x38;
	[tilespmem:$0x5400] =	vst v63  }
0x41: {  	p0 =	sne.s32 s18, s5;
	_ =	swait.ge [sflag:s16], $0x1000  }
.Ltmp1:
0x42: {  	[sflag:s16] =	ssyncset.done $0x0;
	(pc) =	sbr.rel @p0 .LBB2_1-.Ltmp1, $4  }
0x43: {  	[sflag:s16] =	ssyncadd.s32 $0xFFFFF000  }
0x44: {  	_ =	swait.ge [sflag:s17], $0x1000  }
0x45: {  	[sflag:s17] =	ssyncset.done $0x0  }
0x46: {  	[sflag:s17] =	ssyncadd.s32 $0xFFFFF000  }
0x47: {  	_ =	sfence.sel $0x180000  }
0x48: {  	[bflag:$0x0] =	sbarrier.arrive $0xFFFF  }
0x49: {  	p0 =	sne.s32 s0, $0x0;
	_ =	strace $0x90000047  }
0x4a: {  	s0 =	sadd.s32 @!p0 $0x100000, s1;
	[bflag:$0x2] =	sbarrier.arrive $0xFFFF  }
0x4b: {  	[sflag:s0] =	ssyncadd.tile.s32 @!p0 $0x1;
	_ =	shalt  }
.Lfunc_end2:
_tile_overlayer_lowered:
.L_overlay_start_2:
0x4c: {  	(tag) =	ssettag $0x2  }
0x4d: {  	s0 =	rddreg [dreg:$0x0];
	s2 =	stileid.u32  }
0x4e: {  	s1 =	rddreg [dreg:$0x1];
	p0 =	sne.s32 s2, $0x0  }
0x4f: {  	s3 =	rddreg [dreg:$0x2];
	[bflag:$0x3] =	sbarrier.arrive $0xFFFF;
	s2 =	simm.s32 @!p0 $0x1C05  }
0x50: {  	[timem:s3], [sflag:s2] =	dma.local @!p0 [hbm:s0], s1  }
0x51: {  	s0 =	simm.s32 @!p0 $0x5  }
0x52: {  	_ =	swait.ge @!p0 [sflag:s0], s1  }
0x53: {  	s1 =	ssub.s32 @!p0 $0x0, s1;
	[sflag:s0] =	ssyncset.done @!p0 $0x0  }
0x54: {  	[sflag:s0] =	ssyncadd.s32 @!p0 s1  }
0x55: {  	[bflag:$0x3] =	sbarrier.arrive $0xFFFF  }
0x56: {  	_ =	shalt  }

</sc_bundles>
